<compile_context>
chip_gen: v7x
topology: tpu7x:2x2x1
jax: 0.10.2.dev20260603
libtpu: 0.0.44.dev20260713+nightly
codegen_flags: <defaults>
</compile_context>

<pallas_src>
import functools

import jax
import jax.numpy as jnp
from jax import lax
from jax.experimental import pallas as pl
from jax.experimental.pallas import tpu as pltpu
from jax.experimental.pallas import tpu_sc as plsc

_VOCAB = 1000000
_DIM = 32
_BATCH = 16384
_TOTAL = 327680

_NC = 2
_NS = 16
_CHUNK = 128
_PER_TILE = _TOTAL // (_NC * _NS)
_NCH = _PER_TILE // _CHUNK
_NBUF = 4
_SEG_PER_SUB = _BATCH // _NS


def _sc_embed(table, ids, segs, zeros):
    mesh = plsc.VectorSubcoreMesh(core_axis_name="c", subcore_axis_name="s")

    @functools.partial(
        pl.kernel,
        mesh=mesh,
        compiler_params=pltpu.CompilerParams(use_tc_tiling_on_sc=False),
        out_type=jax.ShapeDtypeStruct((_NC, _BATCH, _DIM), jnp.float32),
        scratch_types=[
            pltpu.VMEM((_NCH, _CHUNK), jnp.int32),
            pltpu.VMEM((_NCH, _CHUNK), jnp.int32),
            [pltpu.VMEM((_CHUNK, _DIM), jnp.float32)] * _NBUF,
            pltpu.VMEM_SHARED((_BATCH, _DIM), jnp.float32),
            [pltpu.SemaphoreType.DMA] * _NBUF,
        ],
    )
    def k(table_hbm, idx_hbm, seg_hbm, zero_hbm, out_hbm,
          idx_v, seg_v, rows, acc_sh, gsem):
        c = lax.axis_index("c")
        s = lax.axis_index("s")

        pltpu.sync_copy(zero_hbm.at[pl.ds(s * _SEG_PER_SUB, _SEG_PER_SUB)],
                        acc_sh.at[pl.ds(s * _SEG_PER_SUB, _SEG_PER_SUB)])
        pltpu.sync_copy(idx_hbm.at[c, s], idx_v)
        pltpu.sync_copy(seg_hbm.at[c, s], seg_v)
        plsc.subcore_barrier()

        for b in range(_NBUF):
            pltpu.async_copy(table_hbm.at[idx_v.at[b]], rows[b], gsem[b])

        def group(g, carry):
            for b in range(_NBUF):
                j = g * _NBUF + b
                pltpu.make_async_copy(table_hbm.at[idx_v.at[b]],
                                      rows[b], gsem[b]).wait()
                pltpu.sync_copy(rows[b], acc_sh.at[seg_v.at[j]], add=True)
                nj = j + _NBUF

                @pl.when(nj < _NCH)
                def _():
                    pltpu.async_copy(table_hbm.at[idx_v.at[nj]],
                                     rows[b], gsem[b])
            return carry

        lax.fori_loop(0, _NCH // _NBUF, group, 0)
        plsc.subcore_barrier()

        pltpu.sync_copy(acc_sh.at[pl.ds(s * _SEG_PER_SUB, _SEG_PER_SUB)],
                        out_hbm.at[c, pl.ds(s * _SEG_PER_SUB, _SEG_PER_SUB)])

    return k(table, ids, segs, zeros)


_PACK_R = 2048
_PACK_G = (1000000 + 4 * _PACK_R - 1) // (4 * _PACK_R)


def _tc_pack(table_t):
    def body(x_ref, y_ref):
        z = jnp.concatenate(
            [x_ref[:, _PACK_R * a:_PACK_R * (a + 1)] for a in range(4)],
            axis=0)
        y_ref[...] = z.T

    return pl.pallas_call(
        body,
        grid=(_PACK_G,),
        in_specs=[pl.BlockSpec((_DIM, 4 * _PACK_R), lambda g: (0, g))],
        out_specs=pl.BlockSpec((_PACK_R, 128), lambda g: (g, 0)),
        out_shape=jax.ShapeDtypeStruct((_PACK_G * _PACK_R, 128), jnp.float32),
    )(table_t)


def _tc_combine(parts):
    def body(p_ref, o_ref):
        o_ref[...] = p_ref[0] + p_ref[1]

    return pl.pallas_call(
        body,
        out_shape=jax.ShapeDtypeStruct((_BATCH, _DIM), jnp.float32),
    )(parts)


def kernel(ids, segment_ids, table):
    i32 = ids.astype(jnp.int32)
    slot = ((i32 & ~jnp.int32(8191)) | ((i32 & 2047) << 2) | ((i32 >> 11) & 3))
    ids = slot.reshape(_NC, _NS, _NCH, _CHUNK)
    segs = segment_ids.astype(jnp.int32).reshape(_NC, _NS, _NCH, _CHUNK)
    zeros = jnp.zeros((_BATCH, _DIM), jnp.float32)
    packed = _tc_pack(table.T).reshape(_PACK_G * _PACK_R * 4, _DIM)
    parts = _sc_embed(packed, ids, segs, zeros)
    out = _tc_combine(parts)
    return out[:, None, :]

# --- scband reference (transcript-rebuilt; emitter-appended) ---
"""Pipeline reference for scband-embedding-lookup-sparse-26268019982633 (READ-ONLY COPY).

The authoritative reference and input builder live on the scoring server;
editing this copy changes nothing except your own understanding.
"""

import jax, jax.numpy as jnp
import numpy as np

VOCAB = 1000000
DIM = 32
BATCH = 16384
TOTAL = 327680


def setup_inputs(seed: int = 0) -> dict:
    key = jax.random.key(seed)
    k1, k2, k3 = jax.random.split(key, 3)
    # sparse ids: flattened values of the SparseTensor (embedding row indices)
    ids = jax.random.randint(k1, (TOTAL,), 0, VOCAB)
    # row (segment) id of each sparse entry; must be sorted as in a tf.SparseTensor
    segment_ids = jnp.sort(jax.random.randint(k2, (TOTAL,), 0, BATCH))
    # the embedding table passed as `embed` to the layer constructor
    table = jax.random.normal(k3, (VOCAB, DIM), dtype=jnp.float32) * 0.05
    return {"ids": ids, "segment_ids": segment_ids, "table": table}


def reference(ids, segment_ids, table):
    # tf.nn.embedding_lookup_sparse(embed, sp_ids, sp_weights=None, combiner='sum')
    # == gather rows then segment-sum by the sparse row index
    gathered = jnp.take(table, ids, axis=0)              # [TOTAL, DIM]
    combined = jax.ops.segment_sum(gathered, segment_ids, num_segments=BATCH)  # [BATCH, DIM]
    # layer wraps result with tf.expand_dims(..., axis=1)
    return jnp.expand_dims(combined, axis=1)             # [BATCH, 1, DIM]

if __name__ == "__main__":
    import jax
    _d = setup_inputs()
    print(jax.jit(kernel)(*tuple(_d.values())))

</pallas_src>

<mosaic_0001>
#map = affine_map<(d0, d1) -> (0, 0)>
#map1 = affine_map<(d0, d1) -> (0, 0, 0, 0)>
#map2 = affine_map<(d0, d1) -> (0, 0, 0)>
module attributes {stable_mosaic.version = 14 : i64} {
  func.func @k(%arg0: i32, %arg1: i32, %arg2: memref<1007616x32xf32, #tpu.memory_space<hbm>>, %arg3: memref<2x16x80x128xi32, #tpu.memory_space<hbm>>, %arg4: memref<2x16x80x128xi32, #tpu.memory_space<hbm>>, %arg5: memref<16384x32xf32, #tpu.memory_space<hbm>>, %arg6: memref<2x16384x32xf32, #tpu.memory_space<hbm>>, %arg7: memref<80x128xi32, #tpu.memory_space<vmem>>, %arg8: memref<80x128xi32, #tpu.memory_space<vmem>>, %arg9: memref<128x32xf32, #tpu.memory_space<vmem>>, %arg10: memref<128x32xf32, #tpu.memory_space<vmem>>, %arg11: memref<128x32xf32, #tpu.memory_space<vmem>>, %arg12: memref<128x32xf32, #tpu.memory_space<vmem>>, %arg13: memref<16384x32xf32, #tpu.memory_space<vmem_shared>>, %arg14: memref<!tpu.dma_semaphore, #tpu.memory_space<semaphore_mem>>, %arg15: memref<!tpu.dma_semaphore, #tpu.memory_space<semaphore_mem>>, %arg16: memref<!tpu.dma_semaphore, #tpu.memory_space<semaphore_mem>>, %arg17: memref<!tpu.dma_semaphore, #tpu.memory_space<semaphore_mem>>) attributes {dimension_semantics = [#tpu.dimension_semantics<core_parallel>, #tpu.dimension_semantics<subcore_parallel>], iteration_bounds = array<i64: 2, 16>, scalar_prefetch = 0 : i64, scratch_operands = 11 : i64, tpu.core_type = #tpu.core_type<sc_vector_subcore>, window_params = [{transform_indices = #map}, {transform_indices = #map1}, {transform_indices = #map1}, {transform_indices = #map}, {transform_indices = #map2}]} {
    %mul3A = arith.constant 1024 : i32
    %mul3A_0 = arith.muli %arg1, %mul3A : i32
    %mul3A_1 = arith.constant 1024 : i32
    %mul3A_2 = arith.muli %arg1, %mul3A_1 : i32
    "tpu.region"() ({
      %run_scoped3A = tpu.sem_alloc : memref<!tpu.dma_semaphore, #tpu.memory_space<semaphore_mem>>
      %dma_start3A_40 = arith.constant 0 : i32
      %dma_start3A_41 = tpu.memref_slice %arg13[%mul3A_2, %dma_start3A_40] : memref<16384x32xf32, #tpu.memory_space<vmem_shared>> -> memref<1024x32xf32, #tpu.memory_space<vmem_shared>>
      %dma_start3A_42 = arith.constant 0 : i32
      %dma_start3A_43 = tpu.memref_slice %arg5[%mul3A_0, %dma_start3A_42] : memref<16384x32xf32, #tpu.memory_space<hbm>> -> memref<1024x32xf32, #tpu.memory_space<hbm>>
      tpu.enqueue_dma source(%dma_start3A_43 : memref<1024x32xf32, #tpu.memory_space<hbm>>) target(%dma_start3A_41 : memref<1024x32xf32, #tpu.memory_space<vmem_shared>>) target_semaphore(%run_scoped3A : memref<!tpu.dma_semaphore, #tpu.memory_space<semaphore_mem>>)
      %dma_wait3A = arith.constant 0 : i32
      %dma_wait3A_44 = tpu.memref_slice %arg13[%mul3A_2, %dma_wait3A] : memref<16384x32xf32, #tpu.memory_space<vmem_shared>> -> memref<1024x32xf32, #tpu.memory_space<vmem_shared>>
      %dma_wait3A_45 = arith.constant 0 : i32
      %dma_wait3A_46 = tpu.memref_slice %arg5[%mul3A_0, %dma_wait3A_45] : memref<16384x32xf32, #tpu.memory_space<hbm>> -> memref<1024x32xf32, #tpu.memory_space<hbm>>
      tpu.wait_dma2 semaphore(%run_scoped3A : memref<!tpu.dma_semaphore, #tpu.memory_space<semaphore_mem>>) src(%dma_wait3A_46 : memref<1024x32xf32, #tpu.memory_space<hbm>>) dst(%dma_wait3A_44 : memref<1024x32xf32, #tpu.memory_space<vmem_shared>>)
      tpu.yield
    }) : () -> ()
    "tpu.region"() ({
      %run_scoped3A = tpu.sem_alloc : memref<!tpu.dma_semaphore, #tpu.memory_space<semaphore_mem>>
      %dma_start3A_40 = arith.constant 0 : i32
      %dma_start3A_41 = arith.constant 0 : i32
      %dma_start3A_42 = tpu.memref_slice %arg3[%arg0, %arg1, %dma_start3A_40, %dma_start3A_41] : memref<2x16x80x128xi32, #tpu.memory_space<hbm>> -> memref<1x1x80x128xi32, #tpu.memory_space<hbm>>
      %dma_start3A_43 = tpu.memref_squeeze %dma_start3A_42 : memref<1x1x80x128xi32, #tpu.memory_space<hbm>> -> memref<80x128xi32, #tpu.memory_space<hbm>>
      %dma_start3A_44 = arith.constant 0 : i32
      %dma_start3A_45 = arith.constant 0 : i32
      %dma_start3A_46 = tpu.memref_slice %arg3[%arg0, %arg1, %dma_start3A_44, %dma_start3A_45] : memref<2x16x80x128xi32, #tpu.memory_space<hbm>> -> memref<1x1x80x128xi32, #tpu.memory_space<hbm>>
      %dma_start3A_47 = tpu.memref_squeeze %dma_start3A_46 : memref<1x1x80x128xi32, #tpu.memory_space<hbm>> -> memref<80x128xi32, #tpu.memory_space<hbm>>
      tpu.enqueue_dma source(%dma_start3A_47 : memref<80x128xi32, #tpu.memory_space<hbm>>) target(%arg7 : memref<80x128xi32, #tpu.memory_space<vmem>>) target_semaphore(%run_scoped3A : memref<!tpu.dma_semaphore, #tpu.memory_space<semaphore_mem>>)
      %dma_wait3A = arith.constant 0 : i32
      %dma_wait3A_48 = arith.constant 0 : i32
      %dma_wait3A_49 = tpu.memref_slice %arg3[%arg0, %arg1, %dma_wait3A, %dma_wait3A_48] : memref<2x16x80x128xi32, #tpu.memory_space<hbm>> -> memref<1x1x80x128xi32, #tpu.memory_space<hbm>>
      %dma_wait3A_50 = tpu.memref_squeeze %dma_wait3A_49 : memref<1x1x80x128xi32, #tpu.memory_space<hbm>> -> memref<80x128xi32, #tpu.memory_space<hbm>>
      %dma_wait3A_51 = arith.constant 0 : i32
      %dma_wait3A_52 = arith.constant 0 : i32
      %dma_wait3A_53 = tpu.memref_slice %arg3[%arg0, %arg1, %dma_wait3A_51, %dma_wait3A_52] : memref<2x16x80x128xi32, #tpu.memory_space<hbm>> -> memref<1x1x80x128xi32, #tpu.memory_space<hbm>>
      %dma_wait3A_54 = tpu.memref_squeeze %dma_wait3A_53 : memref<1x1x80x128xi32, #tpu.memory_space<hbm>> -> memref<80x128xi32, #tpu.memory_space<hbm>>
      tpu.wait_dma2 semaphore(%run_scoped3A : memref<!tpu.dma_semaphore, #tpu.memory_space<semaphore_mem>>) src(%dma_wait3A_54 : memref<80x128xi32, #tpu.memory_space<hbm>>) dst(%arg7 : memref<80x128xi32, #tpu.memory_space<vmem>>)
      tpu.yield
    }) : () -> ()
    "tpu.region"() ({
      %run_scoped3A = tpu.sem_alloc : memref<!tpu.dma_semaphore, #tpu.memory_space<semaphore_mem>>
      %dma_start3A_40 = arith.constant 0 : i32
      %dma_start3A_41 = arith.constant 0 : i32
      %dma_start3A_42 = tpu.memref_slice %arg4[%arg0, %arg1, %dma_start3A_40, %dma_start3A_41] : memref<2x16x80x128xi32, #tpu.memory_space<hbm>> -> memref<1x1x80x128xi32, #tpu.memory_space<hbm>>
      %dma_start3A_43 = tpu.memref_squeeze %dma_start3A_42 : memref<1x1x80x128xi32, #tpu.memory_space<hbm>> -> memref<80x128xi32, #tpu.memory_space<hbm>>
      %dma_start3A_44 = arith.constant 0 : i32
      %dma_start3A_45 = arith.constant 0 : i32
      %dma_start3A_46 = tpu.memref_slice %arg4[%arg0, %arg1, %dma_start3A_44, %dma_start3A_45] : memref<2x16x80x128xi32, #tpu.memory_space<hbm>> -> memref<1x1x80x128xi32, #tpu.memory_space<hbm>>
      %dma_start3A_47 = tpu.memref_squeeze %dma_start3A_46 : memref<1x1x80x128xi32, #tpu.memory_space<hbm>> -> memref<80x128xi32, #tpu.memory_space<hbm>>
      tpu.enqueue_dma source(%dma_start3A_47 : memref<80x128xi32, #tpu.memory_space<hbm>>) target(%arg8 : memref<80x128xi32, #tpu.memory_space<vmem>>) target_semaphore(%run_scoped3A : memref<!tpu.dma_semaphore, #tpu.memory_space<semaphore_mem>>)
      %dma_wait3A = arith.constant 0 : i32
      %dma_wait3A_48 = arith.constant 0 : i32
      %dma_wait3A_49 = tpu.memref_slice %arg4[%arg0, %arg1, %dma_wait3A, %dma_wait3A_48] : memref<2x16x80x128xi32, #tpu.memory_space<hbm>> -> memref<1x1x80x128xi32, #tpu.memory_space<hbm>>
      %dma_wait3A_50 = tpu.memref_squeeze %dma_wait3A_49 : memref<1x1x80x128xi32, #tpu.memory_space<hbm>> -> memref<80x128xi32, #tpu.memory_space<hbm>>
      %dma_wait3A_51 = arith.constant 0 : i32
      %dma_wait3A_52 = arith.constant 0 : i32
      %dma_wait3A_53 = tpu.memref_slice %arg4[%arg0, %arg1, %dma_wait3A_51, %dma_wait3A_52] : memref<2x16x80x128xi32, #tpu.memory_space<hbm>> -> memref<1x1x80x128xi32, #tpu.memory_space<hbm>>
      %dma_wait3A_54 = tpu.memref_squeeze %dma_wait3A_53 : memref<1x1x80x128xi32, #tpu.memory_space<hbm>> -> memref<80x128xi32, #tpu.memory_space<hbm>>
      tpu.wait_dma2 semaphore(%run_scoped3A : memref<!tpu.dma_semaphore, #tpu.memory_space<semaphore_mem>>) src(%dma_wait3A_54 : memref<80x128xi32, #tpu.memory_space<hbm>>) dst(%arg8 : memref<80x128xi32, #tpu.memory_space<vmem>>)
      tpu.yield
    }) : () -> ()
    %barrier3A = arith.constant 0 : index
    tpu.barrier barrier_id(%barrier3A)
    %dma_start3A = arith.constant 0 : i32
    %dma_start3A_3 = arith.constant 0 : i32
    %dma_start3A_4 = tpu.memref_slice %arg7[%dma_start3A, %dma_start3A_3] : memref<80x128xi32, #tpu.memory_space<vmem>> -> memref<1x128xi32, #tpu.memory_space<vmem>>
    %dma_start3A_5 = tpu.memref_squeeze %dma_start3A_4 : memref<1x128xi32, #tpu.memory_space<vmem>> -> memref<128xi32, #tpu.memory_space<vmem>>
    %dma_start3A_6 = arith.constant 0 : i32
    %dma_start3A_7 = arith.constant 0 : i32
    %dma_start3A_8 = tpu.memref_slice %arg2[%dma_start3A_6, %dma_start3A_7] : memref<1007616x32xf32, #tpu.memory_space<hbm>> -> memref<1007616x32xf32, #tpu.memory_space<hbm>>
    tpu.enqueue_indirect_dma source(%dma_start3A_8 : memref<1007616x32xf32, #tpu.memory_space<hbm>>) target(%arg9 : memref<128x32xf32, #tpu.memory_space<vmem>>) offsets(%dma_start3A_5 : memref<128xi32, #tpu.memory_space<vmem>>) semaphore(%arg14 : memref<!tpu.dma_semaphore, #tpu.memory_space<semaphore_mem>>)
    %dma_start3A_9 = arith.constant 1 : i32
    %dma_start3A_10 = arith.constant 0 : i32
    %dma_start3A_11 = tpu.memref_slice %arg7[%dma_start3A_9, %dma_start3A_10] : memref<80x128xi32, #tpu.memory_space<vmem>> -> memref<1x128xi32, #tpu.memory_space<vmem>>
    %dma_start3A_12 = tpu.memref_squeeze %dma_start3A_11 : memref<1x128xi32, #tpu.memory_space<vmem>> -> memref<128xi32, #tpu.memory_space<vmem>>
    %dma_start3A_13 = arith.constant 0 : i32
    %dma_start3A_14 = arith.constant 0 : i32
    %dma_start3A_15 = tpu.memref_slice %arg2[%dma_start3A_13, %dma_start3A_14] : memref<1007616x32xf32, #tpu.memory_space<hbm>> -> memref<1007616x32xf32, #tpu.memory_space<hbm>>
    tpu.enqueue_indirect_dma source(%dma_start3A_15 : memref<1007616x32xf32, #tpu.memory_space<hbm>>) target(%arg10 : memref<128x32xf32, #tpu.memory_space<vmem>>) offsets(%dma_start3A_12 : memref<128xi32, #tpu.memory_space<vmem>>) semaphore(%arg15 : memref<!tpu.dma_semaphore, #tpu.memory_space<semaphore_mem>>)
    %dma_start3A_16 = arith.constant 2 : i32
    %dma_start3A_17 = arith.constant 0 : i32
    %dma_start3A_18 = tpu.memref_slice %arg7[%dma_start3A_16, %dma_start3A_17] : memref<80x128xi32, #tpu.memory_space<vmem>> -> memref<1x128xi32, #tpu.memory_space<vmem>>
    %dma_start3A_19 = tpu.memref_squeeze %dma_start3A_18 : memref<1x128xi32, #tpu.memory_space<vmem>> -> memref<128xi32, #tpu.memory_space<vmem>>
    %dma_start3A_20 = arith.constant 0 : i32
    %dma_start3A_21 = arith.constant 0 : i32
    %dma_start3A_22 = tpu.memref_slice %arg2[%dma_start3A_20, %dma_start3A_21] : memref<1007616x32xf32, #tpu.memory_space<hbm>> -> memref<1007616x32xf32, #tpu.memory_space<hbm>>
    tpu.enqueue_indirect_dma source(%dma_start3A_22 : memref<1007616x32xf32, #tpu.memory_space<hbm>>) target(%arg11 : memref<128x32xf32, #tpu.memory_space<vmem>>) offsets(%dma_start3A_19 : memref<128xi32, #tpu.memory_space<vmem>>) semaphore(%arg16 : memref<!tpu.dma_semaphore, #tpu.memory_space<semaphore_mem>>)
    %dma_start3A_23 = arith.constant 3 : i32
    %dma_start3A_24 = arith.constant 0 : i32
    %dma_start3A_25 = tpu.memref_slice %arg7[%dma_start3A_23, %dma_start3A_24] : memref<80x128xi32, #tpu.memory_space<vmem>> -> memref<1x128xi32, #tpu.memory_space<vmem>>
    %dma_start3A_26 = tpu.memref_squeeze %dma_start3A_25 : memref<1x128xi32, #tpu.memory_space<vmem>> -> memref<128xi32, #tpu.memory_space<vmem>>
    %dma_start3A_27 = arith.constant 0 : i32
    %dma_start3A_28 = arith.constant 0 : i32
    %dma_start3A_29 = tpu.memref_slice %arg2[%dma_start3A_27, %dma_start3A_28] : memref<1007616x32xf32, #tpu.memory_space<hbm>> -> memref<1007616x32xf32, #tpu.memory_space<hbm>>
    tpu.enqueue_indirect_dma source(%dma_start3A_29 : memref<1007616x32xf32, #tpu.memory_space<hbm>>) target(%arg12 : memref<128x32xf32, #tpu.memory_space<vmem>>) offsets(%dma_start3A_26 : memref<128xi32, #tpu.memory_space<vmem>>) semaphore(%arg17 : memref<!tpu.dma_semaphore, #tpu.memory_space<semaphore_mem>>)
    %scan3A = arith.constant 0 : i32
    %scan3A_30 = arith.constant 0 : i32
    %scan3A_31 = arith.constant 20 : i32
    %scan3A_32 = arith.addi %scan3A_30, %scan3A_31 : i32
    %scan3A_33 = arith.constant 1 : i32
    scf.for %scan3A_40 = %scan3A_30 to %scan3A_32 step %scan3A_33  : i32 {
      %mul3A_41 = arith.constant 4 : i32
      %mul3A_42 = arith.muli %scan3A_40, %mul3A_41 : i32
      %add3A = arith.constant 0 : i32
      %add3A_43 = arith.addi %mul3A_42, %add3A : i32
      %dma_wait3A = arith.constant 0 : i32
      %dma_wait3A_44 = arith.constant 0 : i32
      %dma_wait3A_45 = tpu.memref_slice %arg7[%dma_wait3A, %dma_wait3A_44] : memref<80x128xi32, #tpu.memory_space<vmem>> -> memref<1x128xi32, #tpu.memory_space<vmem>>
      %dma_wait3A_46 = tpu.memref_squeeze %dma_wait3A_45 : memref<1x128xi32, #tpu.memory_space<vmem>> -> memref<128xi32, #tpu.memory_space<vmem>>
      %dma_wait3A_47 = arith.constant 0 : i32
      %dma_wait3A_48 = arith.constant 0 : i32
      %dma_wait3A_49 = tpu.memref_slice %arg2[%dma_wait3A_47, %dma_wait3A_48] : memref<1007616x32xf32, #tpu.memory_space<hbm>> -> memref<1007616x32xf32, #tpu.memory_space<hbm>>
      tpu.wait_indirect_dma semaphore(%arg14 : memref<!tpu.dma_semaphore, #tpu.memory_space<semaphore_mem>>) src(%dma_wait3A_49 : memref<1007616x32xf32, #tpu.memory_space<hbm>>) dst(%arg9 : memref<128x32xf32, #tpu.memory_space<vmem>>)
      "tpu.region"() ({
        %run_scoped3A = tpu.sem_alloc : memref<!tpu.dma_semaphore, #tpu.memory_space<semaphore_mem>>
        %dma_start3A_108 = arith.constant 0 : i32
        %dma_start3A_109 = tpu.memref_slice %arg8[%add3A_43, %dma_start3A_108] : memref<80x128xi32, #tpu.memory_space<vmem>> -> memref<1x128xi32, #tpu.memory_space<vmem>>
        %dma_start3A_110 = tpu.memref_squeeze %dma_start3A_109 : memref<1x128xi32, #tpu.memory_space<vmem>> -> memref<128xi32, #tpu.memory_space<vmem>>
        %dma_start3A_111 = arith.constant 0 : i32
        %dma_start3A_112 = arith.constant 0 : i32
        %dma_start3A_113 = tpu.memref_slice %arg13[%dma_start3A_111, %dma_start3A_112] : memref<16384x32xf32, #tpu.memory_space<vmem_shared>> -> memref<16384x32xf32, #tpu.memory_space<vmem_shared>>
        tpu.enqueue_indirect_dma source(%arg9 : memref<128x32xf32, #tpu.memory_space<vmem>>) target(%dma_start3A_113 : memref<16384x32xf32, #tpu.memory_space<vmem_shared>>) offsets(%dma_start3A_110 : memref<128xi32, #tpu.memory_space<vmem>>) semaphore(%run_scoped3A : memref<!tpu.dma_semaphore, #tpu.memory_space<semaphore_mem>>) {add = true}
        %dma_wait3A_114 = arith.constant 0 : i32
        %dma_wait3A_115 = tpu.memref_slice %arg8[%add3A_43, %dma_wait3A_114] : memref<80x128xi32, #tpu.memory_space<vmem>> -> memref<1x128xi32, #tpu.memory_space<vmem>>
        %dma_wait3A_116 = tpu.memref_squeeze %dma_wait3A_115 : memref<1x128xi32, #tpu.memory_space<vmem>> -> memref<128xi32, #tpu.memory_space<vmem>>
        %dma_wait3A_117 = arith.constant 0 : i32
        %dma_wait3A_118 = arith.constant 0 : i32
        %dma_wait3A_119 = tpu.memref_slice %arg13[%dma_wait3A_117, %dma_wait3A_118] : memref<16384x32xf32, #tpu.memory_space<vmem_shared>> -> memref<16384x32xf32, #tpu.memory_space<vmem_shared>>
        tpu.wait_indirect_dma semaphore(%run_scoped3A : memref<!tpu.dma_semaphore, #tpu.memory_space<semaphore_mem>>) src(%arg9 : memref<128x32xf32, #tpu.memory_space<vmem>>) dst(%dma_wait3A_119 : memref<16384x32xf32, #tpu.memory_space<vmem_shared>>)
        tpu.yield
      }) : () -> ()
      %add3A_50 = arith.constant 4 : i32
      %add3A_51 = arith.addi %add3A_43, %add3A_50 : i32
      %lt3A = arith.constant 80 : i32
      %lt3A_52 = arith.cmpi slt, %add3A_51, %lt3A : i32
      %convert_element_type3A = arith.extui %lt3A_52 : i1 to i32
      %cond3A = arith.constant 0 : i32
      %cond3A_53 = arith.cmpi ne, %convert_element_type3A, %cond3A : i32
      scf.if %cond3A_53 {
        %dma_start3A_108 = arith.constant 0 : i32
        %dma_start3A_109 = tpu.memref_slice %arg7[%add3A_51, %dma_start3A_108] : memref<80x128xi32, #tpu.memory_space<vmem>> -> memref<1x128xi32, #tpu.memory_space<vmem>>
        %dma_start3A_110 = tpu.memref_squeeze %dma_start3A_109 : memref<1x128xi32, #tpu.memory_space<vmem>> -> memref<128xi32, #tpu.memory_space<vmem>>
        %dma_start3A_111 = arith.constant 0 : i32
        %dma_start3A_112 = arith.constant 0 : i32
        %dma_start3A_113 = tpu.memref_slice %arg2[%dma_start3A_111, %dma_start3A_112] : memref<1007616x32xf32, #tpu.memory_space<hbm>> -> memref<1007616x32xf32, #tpu.memory_space<hbm>>
        tpu.enqueue_indirect_dma source(%dma_start3A_113 : memref<1007616x32xf32, #tpu.memory_space<hbm>>) target(%arg9 : memref<128x32xf32, #tpu.memory_space<vmem>>) offsets(%dma_start3A_110 : memref<128xi32, #tpu.memory_space<vmem>>) semaphore(%arg14 : memref<!tpu.dma_semaphore, #tpu.memory_space<semaphore_mem>>)
      } else {
      }
      %mul3A_54 = arith.constant 4 : i32
      %mul3A_55 = arith.muli %scan3A_40, %mul3A_54 : i32
      %add3A_56 = arith.constant 1 : i32
      %add3A_57 = arith.addi %mul3A_55, %add3A_56 : i32
      %dma_wait3A_58 = arith.constant 1 : i32
      %dma_wait3A_59 = arith.constant 0 : i32
      %dma_wait3A_60 = tpu.memref_slice %arg7[%dma_wait3A_58, %dma_wait3A_59] : memref<80x128xi32, #tpu.memory_space<vmem>> -> memref<1x128xi32, #tpu.memory_space<vmem>>
      %dma_wait3A_61 = tpu.memref_squeeze %dma_wait3A_60 : memref<1x128xi32, #tpu.memory_space<vmem>> -> memref<128xi32, #tpu.memory_space<vmem>>
      %dma_wait3A_62 = arith.constant 0 : i32
      %dma_wait3A_63 = arith.constant 0 : i32
      %dma_wait3A_64 = tpu.memref_slice %arg2[%dma_wait3A_62, %dma_wait3A_63] : memref<1007616x32xf32, #tpu.memory_space<hbm>> -> memref<1007616x32xf32, #tpu.memory_space<hbm>>
      tpu.wait_indirect_dma semaphore(%arg15 : memref<!tpu.dma_semaphore, #tpu.memory_space<semaphore_mem>>) src(%dma_wait3A_64 : memref<1007616x32xf32, #tpu.memory_space<hbm>>) dst(%arg10 : memref<128x32xf32, #tpu.memory_space<vmem>>)
      "tpu.region"() ({
        %run_scoped3A = tpu.sem_alloc : memref<!tpu.dma_semaphore, #tpu.memory_space<semaphore_mem>>
        %dma_start3A_108 = arith.constant 0 : i32
        %dma_start3A_109 = tpu.memref_slice %arg8[%add3A_57, %dma_start3A_108] : memref<80x128xi32, #tpu.memory_space<vmem>> -> memref<1x128xi32, #tpu.memory_space<vmem>>
        %dma_start3A_110 = tpu.memref_squeeze %dma_start3A_109 : memref<1x128xi32, #tpu.memory_space<vmem>> -> memref<128xi32, #tpu.memory_space<vmem>>
        %dma_start3A_111 = arith.constant 0 : i32
        %dma_start3A_112 = arith.constant 0 : i32
        %dma_start3A_113 = tpu.memref_slice %arg13[%dma_start3A_111, %dma_start3A_112] : memref<16384x32xf32, #tpu.memory_space<vmem_shared>> -> memref<16384x32xf32, #tpu.memory_space<vmem_shared>>
        tpu.enqueue_indirect_dma source(%arg10 : memref<128x32xf32, #tpu.memory_space<vmem>>) target(%dma_start3A_113 : memref<16384x32xf32, #tpu.memory_space<vmem_shared>>) offsets(%dma_start3A_110 : memref<128xi32, #tpu.memory_space<vmem>>) semaphore(%run_scoped3A : memref<!tpu.dma_semaphore, #tpu.memory_space<semaphore_mem>>) {add = true}
        %dma_wait3A_114 = arith.constant 0 : i32
        %dma_wait3A_115 = tpu.memref_slice %arg8[%add3A_57, %dma_wait3A_114] : memref<80x128xi32, #tpu.memory_space<vmem>> -> memref<1x128xi32, #tpu.memory_space<vmem>>
        %dma_wait3A_116 = tpu.memref_squeeze %dma_wait3A_115 : memref<1x128xi32, #tpu.memory_space<vmem>> -> memref<128xi32, #tpu.memory_space<vmem>>
        %dma_wait3A_117 = arith.constant 0 : i32
        %dma_wait3A_118 = arith.constant 0 : i32
        %dma_wait3A_119 = tpu.memref_slice %arg13[%dma_wait3A_117, %dma_wait3A_118] : memref<16384x32xf32, #tpu.memory_space<vmem_shared>> -> memref<16384x32xf32, #tpu.memory_space<vmem_shared>>
        tpu.wait_indirect_dma semaphore(%run_scoped3A : memref<!tpu.dma_semaphore, #tpu.memory_space<semaphore_mem>>) src(%arg10 : memref<128x32xf32, #tpu.memory_space<vmem>>) dst(%dma_wait3A_119 : memref<16384x32xf32, #tpu.memory_space<vmem_shared>>)
        tpu.yield
      }) : () -> ()
      %add3A_65 = arith.constant 4 : i32
      %add3A_66 = arith.addi %add3A_57, %add3A_65 : i32
      %lt3A_67 = arith.constant 80 : i32
      %lt3A_68 = arith.cmpi slt, %add3A_66, %lt3A_67 : i32
      %convert_element_type3A_69 = arith.extui %lt3A_68 : i1 to i32
      %cond3A_70 = arith.constant 0 : i32
      %cond3A_71 = arith.cmpi ne, %convert_element_type3A_69, %cond3A_70 : i32
      scf.if %cond3A_71 {
        %dma_start3A_108 = arith.constant 0 : i32
        %dma_start3A_109 = tpu.memref_slice %arg7[%add3A_66, %dma_start3A_108] : memref<80x128xi32, #tpu.memory_space<vmem>> -> memref<1x128xi32, #tpu.memory_space<vmem>>
        %dma_start3A_110 = tpu.memref_squeeze %dma_start3A_109 : memref<1x128xi32, #tpu.memory_space<vmem>> -> memref<128xi32, #tpu.memory_space<vmem>>
        %dma_start3A_111 = arith.constant 0 : i32
        %dma_start3A_112 = arith.constant 0 : i32
        %dma_start3A_113 = tpu.memref_slice %arg2[%dma_start3A_111, %dma_start3A_112] : memref<1007616x32xf32, #tpu.memory_space<hbm>> -> memref<1007616x32xf32, #tpu.memory_space<hbm>>
        tpu.enqueue_indirect_dma source(%dma_start3A_113 : memref<1007616x32xf32, #tpu.memory_space<hbm>>) target(%arg10 : memref<128x32xf32, #tpu.memory_space<vmem>>) offsets(%dma_start3A_110 : memref<128xi32, #tpu.memory_space<vmem>>) semaphore(%arg15 : memref<!tpu.dma_semaphore, #tpu.memory_space<semaphore_mem>>)
      } else {
      }
      %mul3A_72 = arith.constant 4 : i32
      %mul3A_73 = arith.muli %scan3A_40, %mul3A_72 : i32
      %add3A_74 = arith.constant 2 : i32
      %add3A_75 = arith.addi %mul3A_73, %add3A_74 : i32
      %dma_wait3A_76 = arith.constant 2 : i32
      %dma_wait3A_77 = arith.constant 0 : i32
      %dma_wait3A_78 = tpu.memref_slice %arg7[%dma_wait3A_76, %dma_wait3A_77] : memref<80x128xi32, #tpu.memory_space<vmem>> -> memref<1x128xi32, #tpu.memory_space<vmem>>
      %dma_wait3A_79 = tpu.memref_squeeze %dma_wait3A_78 : memref<1x128xi32, #tpu.memory_space<vmem>> -> memref<128xi32, #tpu.memory_space<vmem>>
      %dma_wait3A_80 = arith.constant 0 : i32
      %dma_wait3A_81 = arith.constant 0 : i32
      %dma_wait3A_82 = tpu.memref_slice %arg2[%dma_wait3A_80, %dma_wait3A_81] : memref<1007616x32xf32, #tpu.memory_space<hbm>> -> memref<1007616x32xf32, #tpu.memory_space<hbm>>
      tpu.wait_indirect_dma semaphore(%arg16 : memref<!tpu.dma_semaphore, #tpu.memory_space<semaphore_mem>>) src(%dma_wait3A_82 : memref<1007616x32xf32, #tpu.memory_space<hbm>>) dst(%arg11 : memref<128x32xf32, #tpu.memory_space<vmem>>)
      "tpu.region"() ({
        %run_scoped3A = tpu.sem_alloc : memref<!tpu.dma_semaphore, #tpu.memory_space<semaphore_mem>>
        %dma_start3A_108 = arith.constant 0 : i32
        %dma_start3A_109 = tpu.memref_slice %arg8[%add3A_75, %dma_start3A_108] : memref<80x128xi32, #tpu.memory_space<vmem>> -> memref<1x128xi32, #tpu.memory_space<vmem>>
        %dma_start3A_110 = tpu.memref_squeeze %dma_start3A_109 : memref<1x128xi32, #tpu.memory_space<vmem>> -> memref<128xi32, #tpu.memory_space<vmem>>
        %dma_start3A_111 = arith.constant 0 : i32
        %dma_start3A_112 = arith.constant 0 : i32
        %dma_start3A_113 = tpu.memref_slice %arg13[%dma_start3A_111, %dma_start3A_112] : memref<16384x32xf32, #tpu.memory_space<vmem_shared>> -> memref<16384x32xf32, #tpu.memory_space<vmem_shared>>
        tpu.enqueue_indirect_dma source(%arg11 : memref<128x32xf32, #tpu.memory_space<vmem>>) target(%dma_start3A_113 : memref<16384x32xf32, #tpu.memory_space<vmem_shared>>) offsets(%dma_start3A_110 : memref<128xi32, #tpu.memory_space<vmem>>) semaphore(%run_scoped3A : memref<!tpu.dma_semaphore, #tpu.memory_space<semaphore_mem>>) {add = true}
        %dma_wait3A_114 = arith.constant 0 : i32
        %dma_wait3A_115 = tpu.memref_slice %arg8[%add3A_75, %dma_wait3A_114] : memref<80x128xi32, #tpu.memory_space<vmem>> -> memref<1x128xi32, #tpu.memory_space<vmem>>
        %dma_wait3A_116 = tpu.memref_squeeze %dma_wait3A_115 : memref<1x128xi32, #tpu.memory_space<vmem>> -> memref<128xi32, #tpu.memory_space<vmem>>
        %dma_wait3A_117 = arith.constant 0 : i32
        %dma_wait3A_118 = arith.constant 0 : i32
        %dma_wait3A_119 = tpu.memref_slice %arg13[%dma_wait3A_117, %dma_wait3A_118] : memref<16384x32xf32, #tpu.memory_space<vmem_shared>> -> memref<16384x32xf32, #tpu.memory_space<vmem_shared>>
        tpu.wait_indirect_dma semaphore(%run_scoped3A : memref<!tpu.dma_semaphore, #tpu.memory_space<semaphore_mem>>) src(%arg11 : memref<128x32xf32, #tpu.memory_space<vmem>>) dst(%dma_wait3A_119 : memref<16384x32xf32, #tpu.memory_space<vmem_shared>>)
        tpu.yield
      }) : () -> ()
      %add3A_83 = arith.constant 4 : i32
      %add3A_84 = arith.addi %add3A_75, %add3A_83 : i32
      %lt3A_85 = arith.constant 80 : i32
      %lt3A_86 = arith.cmpi slt, %add3A_84, %lt3A_85 : i32
      %convert_element_type3A_87 = arith.extui %lt3A_86 : i1 to i32
      %cond3A_88 = arith.constant 0 : i32
      %cond3A_89 = arith.cmpi ne, %convert_element_type3A_87, %cond3A_88 : i32
      scf.if %cond3A_89 {
        %dma_start3A_108 = arith.constant 0 : i32
        %dma_start3A_109 = tpu.memref_slice %arg7[%add3A_84, %dma_start3A_108] : memref<80x128xi32, #tpu.memory_space<vmem>> -> memref<1x128xi32, #tpu.memory_space<vmem>>
        %dma_start3A_110 = tpu.memref_squeeze %dma_start3A_109 : memref<1x128xi32, #tpu.memory_space<vmem>> -> memref<128xi32, #tpu.memory_space<vmem>>
        %dma_start3A_111 = arith.constant 0 : i32
        %dma_start3A_112 = arith.constant 0 : i32
        %dma_start3A_113 = tpu.memref_slice %arg2[%dma_start3A_111, %dma_start3A_112] : memref<1007616x32xf32, #tpu.memory_space<hbm>> -> memref<1007616x32xf32, #tpu.memory_space<hbm>>
        tpu.enqueue_indirect_dma source(%dma_start3A_113 : memref<1007616x32xf32, #tpu.memory_space<hbm>>) target(%arg11 : memref<128x32xf32, #tpu.memory_space<vmem>>) offsets(%dma_start3A_110 : memref<128xi32, #tpu.memory_space<vmem>>) semaphore(%arg16 : memref<!tpu.dma_semaphore, #tpu.memory_space<semaphore_mem>>)
      } else {
      }
      %mul3A_90 = arith.constant 4 : i32
      %mul3A_91 = arith.muli %scan3A_40, %mul3A_90 : i32
      %add3A_92 = arith.constant 3 : i32
      %add3A_93 = arith.addi %mul3A_91, %add3A_92 : i32
      %dma_wait3A_94 = arith.constant 3 : i32
      %dma_wait3A_95 = arith.constant 0 : i32
      %dma_wait3A_96 = tpu.memref_slice %arg7[%dma_wait3A_94, %dma_wait3A_95] : memref<80x128xi32, #tpu.memory_space<vmem>> -> memref<1x128xi32, #tpu.memory_space<vmem>>
      %dma_wait3A_97 = tpu.memref_squeeze %dma_wait3A_96 : memref<1x128xi32, #tpu.memory_space<vmem>> -> memref<128xi32, #tpu.memory_space<vmem>>
      %dma_wait3A_98 = arith.constant 0 : i32
      %dma_wait3A_99 = arith.constant 0 : i32
      %dma_wait3A_100 = tpu.memref_slice %arg2[%dma_wait3A_98, %dma_wait3A_99] : memref<1007616x32xf32, #tpu.memory_space<hbm>> -> memref<1007616x32xf32, #tpu.memory_space<hbm>>
      tpu.wait_indirect_dma semaphore(%arg17 : memref<!tpu.dma_semaphore, #tpu.memory_space<semaphore_mem>>) src(%dma_wait3A_100 : memref<1007616x32xf32, #tpu.memory_space<hbm>>) dst(%arg12 : memref<128x32xf32, #tpu.memory_space<vmem>>)
      "tpu.region"() ({
        %run_scoped3A = tpu.sem_alloc : memref<!tpu.dma_semaphore, #tpu.memory_space<semaphore_mem>>
        %dma_start3A_108 = arith.constant 0 : i32
        %dma_start3A_109 = tpu.memref_slice %arg8[%add3A_93, %dma_start3A_108] : memref<80x128xi32, #tpu.memory_space<vmem>> -> memref<1x128xi32, #tpu.memory_space<vmem>>
        %dma_start3A_110 = tpu.memref_squeeze %dma_start3A_109 : memref<1x128xi32, #tpu.memory_space<vmem>> -> memref<128xi32, #tpu.memory_space<vmem>>
        %dma_start3A_111 = arith.constant 0 : i32
        %dma_start3A_112 = arith.constant 0 : i32
        %dma_start3A_113 = tpu.memref_slice %arg13[%dma_start3A_111, %dma_start3A_112] : memref<16384x32xf32, #tpu.memory_space<vmem_shared>> -> memref<16384x32xf32, #tpu.memory_space<vmem_shared>>
        tpu.enqueue_indirect_dma source(%arg12 : memref<128x32xf32, #tpu.memory_space<vmem>>) target(%dma_start3A_113 : memref<16384x32xf32, #tpu.memory_space<vmem_shared>>) offsets(%dma_start3A_110 : memref<128xi32, #tpu.memory_space<vmem>>) semaphore(%run_scoped3A : memref<!tpu.dma_semaphore, #tpu.memory_space<semaphore_mem>>) {add = true}
        %dma_wait3A_114 = arith.constant 0 : i32
        %dma_wait3A_115 = tpu.memref_slice %arg8[%add3A_93, %dma_wait3A_114] : memref<80x128xi32, #tpu.memory_space<vmem>> -> memref<1x128xi32, #tpu.memory_space<vmem>>
        %dma_wait3A_116 = tpu.memref_squeeze %dma_wait3A_115 : memref<1x128xi32, #tpu.memory_space<vmem>> -> memref<128xi32, #tpu.memory_space<vmem>>
        %dma_wait3A_117 = arith.constant 0 : i32
        %dma_wait3A_118 = arith.constant 0 : i32
        %dma_wait3A_119 = tpu.memref_slice %arg13[%dma_wait3A_117, %dma_wait3A_118] : memref<16384x32xf32, #tpu.memory_space<vmem_shared>> -> memref<16384x32xf32, #tpu.memory_space<vmem_shared>>
        tpu.wait_indirect_dma semaphore(%run_scoped3A : memref<!tpu.dma_semaphore, #tpu.memory_space<semaphore_mem>>) src(%arg12 : memref<128x32xf32, #tpu.memory_space<vmem>>) dst(%dma_wait3A_119 : memref<16384x32xf32, #tpu.memory_space<vmem_shared>>)
        tpu.yield
      }) : () -> ()
      %add3A_101 = arith.constant 4 : i32
      %add3A_102 = arith.addi %add3A_93, %add3A_101 : i32
      %lt3A_103 = arith.constant 80 : i32
      %lt3A_104 = arith.cmpi slt, %add3A_102, %lt3A_103 : i32
      %convert_element_type3A_105 = arith.extui %lt3A_104 : i1 to i32
      %cond3A_106 = arith.constant 0 : i32
      %cond3A_107 = arith.cmpi ne, %convert_element_type3A_105, %cond3A_106 : i32
      scf.if %cond3A_107 {
        %dma_start3A_108 = arith.constant 0 : i32
        %dma_start3A_109 = tpu.memref_slice %arg7[%add3A_102, %dma_start3A_108] : memref<80x128xi32, #tpu.memory_space<vmem>> -> memref<1x128xi32, #tpu.memory_space<vmem>>
        %dma_start3A_110 = tpu.memref_squeeze %dma_start3A_109 : memref<1x128xi32, #tpu.memory_space<vmem>> -> memref<128xi32, #tpu.memory_space<vmem>>
        %dma_start3A_111 = arith.constant 0 : i32
        %dma_start3A_112 = arith.constant 0 : i32
        %dma_start3A_113 = tpu.memref_slice %arg2[%dma_start3A_111, %dma_start3A_112] : memref<1007616x32xf32, #tpu.memory_space<hbm>> -> memref<1007616x32xf32, #tpu.memory_space<hbm>>
        tpu.enqueue_indirect_dma source(%dma_start3A_113 : memref<1007616x32xf32, #tpu.memory_space<hbm>>) target(%arg12 : memref<128x32xf32, #tpu.memory_space<vmem>>) offsets(%dma_start3A_110 : memref<128xi32, #tpu.memory_space<vmem>>) semaphore(%arg17 : memref<!tpu.dma_semaphore, #tpu.memory_space<semaphore_mem>>)
      } else {
      }
    }
    %scan3A_34 = arith.constant 20 : i32
    %barrier3A_35 = arith.constant 0 : index
    tpu.barrier barrier_id(%barrier3A_35)
    %mul3A_36 = arith.constant 1024 : i32
    %mul3A_37 = arith.muli %arg1, %mul3A_36 : i32
    %mul3A_38 = arith.constant 1024 : i32
    %mul3A_39 = arith.muli %arg1, %mul3A_38 : i32
    "tpu.region"() ({
      %run_scoped3A = tpu.sem_alloc : memref<!tpu.dma_semaphore, #tpu.memory_space<semaphore_mem>>
      %dma_start3A_40 = arith.constant 0 : i32
      %dma_start3A_41 = tpu.memref_slice %arg6[%arg0, %mul3A_39, %dma_start3A_40] : memref<2x16384x32xf32, #tpu.memory_space<hbm>> -> memref<1x1024x32xf32, #tpu.memory_space<hbm>>
      %dma_start3A_42 = tpu.memref_squeeze %dma_start3A_41 : memref<1x1024x32xf32, #tpu.memory_space<hbm>> -> memref<1024x32xf32, #tpu.memory_space<hbm>>
      %dma_start3A_43 = arith.constant 0 : i32
      %dma_start3A_44 = tpu.memref_slice %arg13[%mul3A_37, %dma_start3A_43] : memref<16384x32xf32, #tpu.memory_space<vmem_shared>> -> memref<1024x32xf32, #tpu.memory_space<vmem_shared>>
      tpu.enqueue_dma source(%dma_start3A_44 : memref<1024x32xf32, #tpu.memory_space<vmem_shared>>) target(%dma_start3A_42 : memref<1024x32xf32, #tpu.memory_space<hbm>>) target_semaphore(%run_scoped3A : memref<!tpu.dma_semaphore, #tpu.memory_space<semaphore_mem>>)
      %dma_wait3A = arith.constant 0 : i32
      %dma_wait3A_45 = tpu.memref_slice %arg6[%arg0, %mul3A_39, %dma_wait3A] : memref<2x16384x32xf32, #tpu.memory_space<hbm>> -> memref<1x1024x32xf32, #tpu.memory_space<hbm>>
      %dma_wait3A_46 = tpu.memref_squeeze %dma_wait3A_45 : memref<1x1024x32xf32, #tpu.memory_space<hbm>> -> memref<1024x32xf32, #tpu.memory_space<hbm>>
      %dma_wait3A_47 = arith.constant 0 : i32
      %dma_wait3A_48 = tpu.memref_slice %arg13[%mul3A_37, %dma_wait3A_47] : memref<16384x32xf32, #tpu.memory_space<vmem_shared>> -> memref<1024x32xf32, #tpu.memory_space<vmem_shared>>
      tpu.wait_dma2 semaphore(%run_scoped3A : memref<!tpu.dma_semaphore, #tpu.memory_space<semaphore_mem>>) src(%dma_wait3A_48 : memref<1024x32xf32, #tpu.memory_space<vmem_shared>>) dst(%dma_wait3A_46 : memref<1024x32xf32, #tpu.memory_space<hbm>>)
      tpu.yield
    }) : () -> ()
    return
  }
}

module attributes {stable_mosaic.version = 14 : i64} {
  func.func @body(%arg0: i32, %arg1: memref<32x8192xf32, #tpu.memory_space<vmem>>, %arg2: memref<2048x128xf32, #tpu.memory_space<vmem>>) attributes {dimension_semantics = [#tpu.dimension_semantics<arbitrary>], iteration_bounds = array<i64: 123>, scalar_prefetch = 0 : i64, scratch_operands = 0 : i64, tpu.core_type = #tpu.core_type<tc>, window_params = [{transform_indices = @transform_0, window_bounds = array<i64: 32, 8192>}, {transform_indices = @transform_1, window_bounds = array<i64: 2048, 128>}]} {
    %get3A = arith.constant 0 : index
    %get3A_0 = arith.constant 0 : index
    %get3A_1 = vector.load %arg1[%get3A, %get3A_0] : memref<32x8192xf32, #tpu.memory_space<vmem>>, vector<32x2048xf32>
    %get3A_2 = arith.constant 0 : index
    %get3A_3 = arith.constant 2048 : index
    %get3A_4 = vector.load %arg1[%get3A_2, %get3A_3] : memref<32x8192xf32, #tpu.memory_space<vmem>>, vector<32x2048xf32>
    %get3A_5 = arith.constant 0 : index
    %get3A_6 = arith.constant 4096 : index
    %get3A_7 = vector.load %arg1[%get3A_5, %get3A_6] : memref<32x8192xf32, #tpu.memory_space<vmem>>, vector<32x2048xf32>
    %get3A_8 = arith.constant 0 : index
    %get3A_9 = arith.constant 6144 : index
    %get3A_10 = vector.load %arg1[%get3A_8, %get3A_9] : memref<32x8192xf32, #tpu.memory_space<vmem>>, vector<32x2048xf32>
    %concatenate3A = tpu.concatenate %get3A_1, %get3A_4, %get3A_7, %get3A_10 in 0 : vector<32x2048xf32>, vector<32x2048xf32>, vector<32x2048xf32>, vector<32x2048xf32> -> vector<128x2048xf32>
    %transpose3A = tpu.transpose %concatenate3A, [1, 0] : vector<128x2048xf32> -> vector<2048x128xf32>
    %swap3A = arith.constant 0 : index
    %swap3A_11 = arith.constant 0 : index
    %swap3A_12 = vector.load %arg2[%swap3A, %swap3A_11] : memref<2048x128xf32, #tpu.memory_space<vmem>>, vector<2048x128xf32>
    tpu.vector_store %arg2[%swap3A, %swap3A_11], %transpose3A {strides = array<i32>} : memref<2048x128xf32, #tpu.memory_space<vmem>>, vector<2048x128xf32>,
    return
  }
  func.func @transform_0(%arg0: i32) -> (i32, i32) {
    %c0_i32 = arith.constant 0 : i32
    %c0_i32_0 = arith.constant 0 : i32
    return %c0_i32, %arg0 : i32, i32
  }
  func.func @transform_1(%arg0: i32) -> (i32, i32) {
    %c0_i32 = arith.constant 0 : i32
    %c0_i32_0 = arith.constant 0 : i32
    return %arg0, %c0_i32 : i32, i32
  }
}

module attributes {stable_mosaic.version = 14 : i64} {
  func.func @body(%arg0: memref<2x16384x32xf32, #tpu.memory_space<vmem>>, %arg1: memref<16384x32xf32, #tpu.memory_space<vmem>>) attributes {dimension_semantics = [], scalar_prefetch = 0 : i64, scratch_operands = 0 : i64, tpu.core_type = #tpu.core_type<tc>} {
    %get3A = arith.constant 0 : index
    %get3A_0 = arith.constant 0 : index
    %get3A_1 = arith.constant 0 : index
    %get3A_2 = vector.load %arg0[%get3A, %get3A_0, %get3A_1] : memref<2x16384x32xf32, #tpu.memory_space<vmem>>, vector<1x16384x32xf32>
    %get3A_3 = vector.shape_cast %get3A_2 : vector<1x16384x32xf32> to vector<16384x32xf32>
    %get3A_4 = arith.constant 1 : index
    %get3A_5 = arith.constant 0 : index
    %get3A_6 = arith.constant 0 : index
    %get3A_7 = vector.load %arg0[%get3A_4, %get3A_5, %get3A_6] : memref<2x16384x32xf32, #tpu.memory_space<vmem>>, vector<1x16384x32xf32>
    %get3A_8 = vector.shape_cast %get3A_7 : vector<1x16384x32xf32> to vector<16384x32xf32>
    %add3A = arith.addf %get3A_3, %get3A_8 : vector<16384x32xf32>
    %swap3A = arith.constant 0 : index
    %swap3A_9 = arith.constant 0 : index
    %swap3A_10 = vector.load %arg1[%swap3A, %swap3A_9] : memref<16384x32xf32, #tpu.memory_space<vmem>>, vector<16384x32xf32>
    tpu.vector_store %arg1[%swap3A, %swap3A_9], %add3A {strides = array<i32>} : memref<16384x32xf32, #tpu.memory_space<vmem>>, vector<16384x32xf32>,
    return
  }
}

</mosaic_0001>

<sc_bundles>
// kernel: kernel.5.cloned.1.call-start
scs
__scs_entry_jumppad:
0x0: {  	(pc) =	sbr.rel $0x88, $3  }
0x1: {  	(tag) =	ssettag $0x0;
	lr =	simm.s32 $0x1  }
0x2: {  	[smem:$0x3F9E] =	sst lr;
	_ =	strace $0xD0000000  }
0x3: {  	_ = 	snop  }
0x4: {  	_ = 	snop  }
0x5: {  	_ = 	snop  }
0x6: {  	_ = 	snop  }
0x7: {  	_ = 	snop  }
__scs_overlays_trampoline_lowered:
0x8: {  	[smem:$0x3FAD] =	sst s0  }
0x9: {  	[smem:$0x3FAE] =	sst s1  }
0xa: {  	[smem:$0x3FAF] =	sst s2  }
0xb: {  	[smem:$0x3FB0] =	sst s3  }
0xc: {  	[smem:$0x3FB1] =	sst s4  }
0xd: {  	[smem:$0x3FB2] =	sst s5  }
0xe: {  	[smem:$0x3FB3] =	sst s6  }
0xf: {  	[smem:$0x3FB4] =	sst s7  }
0x10: {  	[smem:$0x3FB5] =	sst s8  }
0x11: {  	[smem:$0x3FB6] =	sst s9;
	s0 =	simm.s32 @!p0 $0x0  }
0x12: {  	s1 =	sld [smem:$0x3F9C];
	s0 =	simm.s32 @p0 $0x1  }
0x13: {  	[smem:$0x3FB7] =	sst s0;
	s0 =	simm.s32 @!p1 $0x0  }
0x14: {  	s2 =	sld [smem:$0x3F9B];
	s0 =	simm.s32 @p1 $0x1  }
0x15: {  	[smem:$0x3FB8] =	sst s0;
	s0 =	simm.s32 @!p2 $0x0  }
0x16: {  	s3 =	sld [smem:$0x3FDB];
	s0 =	simm.s32 @p2 $0x1  }
0x17: {  	s4 =	simm.s32 $0x1BF5;
	[smem:$0x3FBA] =	sst s0  }
0x18: {  	s0 =	sld [smem:$0x3F9D];
	_ =	swait.ge [sflag:s4], $0x0  }
0x19: {  	s7 =	sld [smem:$0x3F9E]  }
0x1a: {  	s8 =	sadd.s32 $0xFFFFE003, lr  }
0x1b: {  	s9 =	sadd.s32 $0xFFFFFEF7, lr;
	s5 =	simm.s32 $0xFFFFFFFF;
	p2 =	slt.u32 s8, $0xFFFFF086  }
0x1c: {  	p1 =	slt.u32 s9, $0xF7A;
	s5 =	simm.s32 @!p2 $0x0  }
0x1d: {  	s5 =	simm.s32 @p1 $0x1;
	p0 =	seq.s32 s7, s2  }
0x1e: {  	s7 =	smul.u32 @!p0 $0xF7A, s2;
	p2 =	seq.s32 @!p0 s5, $0x0  }
0x1f: {  	s9 =	smul.u32 $0xF7A, s1;
	s8 =	simm.s32 @!p0 $0x1BF5;
	p2 =	por !p2, p0  }
0x20: {  	[sflag:s8] =	ssyncset.s32 @!p0 $0xFFFFF086;
	s6 =	sadd.s32 @!p0 s3, s7;
	s7 =	simm.s32 @!p0 $0x108  }
0x21: {  	s3 =	sadd.s32 s3, s9;
	s6 =	sadd.s32 @!p0 $0x88, s6;
	s7 =	simm.s32 @p2 $0x1082  }
0x22: {  	[simem:s7], [sflag:s8] =	dma.local @!p0 [hbm:s6], $0xF7A  }
0x23: {  	s9 =	sor.u32 $0xD0000000, s2;
	s6 =	simm.s32 $0x108;
	_ =	swait.ge @!p0 [sflag:s8], $0x0  }
0x24: {  	s3 =	sadd.s32 $0x88, s3;
	s6 =	simm.s32 @!p1 $0x1082;
	[sflag:s4] =	ssyncset.s32 $0xFFFFF086  }
0x25: {  	[simem:s6], [sflag:s4] =	dma.local [hbm:s3], $0xF7A  }
0x26: {  	[smem:$0x3F9E] =	sst s1;
	(tag) =	ssettag s2;
	_ =	strace s9  }
0x27: {  	s1 =	sld [smem:$0x3FAE]  }
0x28: {  	s2 =	sld [smem:$0x3FAF]  }
0x29: {  	s4 =	sld [smem:$0x3FB1]  }
0x2a: {  	p0 =	seq.s32 s5, $0x0;
	s5 =	sld [smem:$0x3FB2]  }
0x2b: {  	s6 =	sld [smem:$0x3FB3]  }
0x2c: {  	s7 =	sld [smem:$0x3FB4]  }
0x2d: {  	s3 =	simm.s32 $0x108;
	s8 =	sld [smem:$0x3FB5]  }
0x2e: {  	s3 =	simm.s32 @!p0 $0x1082;
	s9 =	sld [smem:$0x3FB6]  }
0x2f: {  	lr =	sadd.s32 s0, s3;
	s0 =	sld [smem:$0x3FAD]  }
0x30: {  	s3 =	sld [smem:$0x3FB0]  }
0x31: {  	[smem:$0x3FB9] =	sst s10  }
0x32: {  	s10 =	sld [smem:$0x3FB7];
	_ =	sdelay $0x3  }
0x33: {  	p0 =	seq.s32 s10, $0x1;
	s10 =	sld [smem:$0x3FB9];
	_ =	sdelay $0x3  }
0x34: {  	[smem:$0x3FB9] =	sst s10  }
0x35: {  	s10 =	sld [smem:$0x3FB8];
	_ =	sdelay $0x3  }
0x36: {  	p1 =	seq.s32 s10, $0x1;
	s10 =	sld [smem:$0x3FB9];
	_ =	sdelay $0x3  }
0x37: {  	[smem:$0x3FB9] =	sst s10  }
0x38: {  	s10 =	sld [smem:$0x3FBA]  }
0x39: {  	_ = 	snop;
	(pc) =	sbr.ind lr, $3  }
0x3a: {  	_ = 	snop  }
0x3b: {  	_ = 	snop  }
0x3c: {  	p2 =	seq.s32 s10, $0x1;
	s10 =	sld [smem:$0x3FB9]  }
0x3d: {  	_ =	shalt  }
0x3e: {  	_ =	shalt  }
0x3f: {  	_ =	shalt  }
0x40: {  	_ =	shalt  }
0x41: {  	_ =	shalt  }
0x42: {  	_ =	shalt  }
0x43: {  	_ =	shalt  }
0x44: {  	_ =	shalt  }
0x45: {  	_ =	shalt  }
0x46: {  	_ =	shalt  }
0x47: {  	_ =	shalt  }
0x48: {  	_ =	shalt  }
0x49: {  	_ =	shalt  }
0x4a: {  	_ =	shalt  }
0x4b: {  	_ =	shalt  }
0x4c: {  	_ =	shalt  }
0x4d: {  	_ =	shalt  }
0x4e: {  	_ =	shalt  }
0x4f: {  	_ =	shalt  }
0x50: {  	_ =	shalt  }
0x51: {  	_ =	shalt  }
0x52: {  	_ =	shalt  }
0x53: {  	_ =	shalt  }
0x54: {  	_ =	shalt  }
0x55: {  	_ =	shalt  }
0x56: {  	_ =	shalt  }
0x57: {  	_ =	shalt  }
0x58: {  	_ =	shalt  }
0x59: {  	_ =	shalt  }
0x5a: {  	_ =	shalt  }
0x5b: {  	_ =	shalt  }
0x5c: {  	_ =	shalt  }
0x5d: {  	_ =	shalt  }
0x5e: {  	_ =	shalt  }
0x5f: {  	_ =	shalt  }
0x60: {  	_ =	shalt  }
0x61: {  	_ =	shalt  }
0x62: {  	_ =	shalt  }
0x63: {  	_ =	shalt  }
0x64: {  	_ =	shalt  }
0x65: {  	_ =	shalt  }
0x66: {  	_ =	shalt  }
0x67: {  	_ =	shalt  }
0x68: {  	_ =	shalt  }
0x69: {  	_ =	shalt  }
0x6a: {  	_ =	shalt  }
0x6b: {  	_ =	shalt  }
0x6c: {  	_ =	shalt  }
0x6d: {  	_ =	shalt  }
0x6e: {  	_ =	shalt  }
0x6f: {  	_ =	shalt  }
0x70: {  	_ =	shalt  }
0x71: {  	_ =	shalt  }
0x72: {  	_ =	shalt  }
0x73: {  	_ =	shalt  }
0x74: {  	_ =	shalt  }
0x75: {  	_ =	shalt  }
0x76: {  	_ =	shalt  }
0x77: {  	_ =	shalt  }
0x78: {  	_ =	shalt  }
0x79: {  	_ =	shalt  }
0x7a: {  	_ =	shalt  }
0x7b: {  	_ =	shalt  }
0x7c: {  	_ =	shalt  }
0x7d: {  	_ =	shalt  }
0x7e: {  	_ =	shalt  }
0x7f: {  	_ =	shalt  }
0x80: {  	_ =	shalt  }
0x81: {  	_ =	shalt  }
0x82: {  	_ =	shalt  }
0x83: {  	_ =	shalt  }
0x84: {  	_ =	shalt  }
0x85: {  	_ =	shalt  }
0x86: {  	_ =	shalt  }
0x87: {  	_ =	shalt  }
.Lfunc_end0:
.L_simem_size_0:
called_computation_lowered:
.L_overlay_start_0:
0x88: {  	s2 =	sld [smem:$0x3FD9]  }
0x89: {  	s3 =	sld [smem:$0x3FFE];
	_ =	sdelay $0x1  }
0x8a: {  	s1 =	srdreg.scid  }
0x8b: {  	s0 =	sand.u32 $0x1, s1  }
0x8c: {  	s17 =	sshll.u32 s0, $0xA;
	s2 =	sadd.s32 s3, s2  }
0x8d: {  	s2 =	sadd.s32 s2, s17  }
0x8e: {  	[smem:$0x3FC5] =	sst s2  }
0x8f: {  	_ = 	snop  }
0x90: {  	s2 =	sld [smem:$0x3FC8]  }
0x91: {  	s18 =	sld [smem:$0x3FD0];
	(tm) =	ssettm $0x1  }
0x92: {  	s4 =	sld [smem:$0x3FFB];
	_ =	sdelay $0x3  }
0x93: {  	_ =	strace s4  }
0x94: {  	s4 =	sld [smem:$0x3FFC];
	_ =	sdelay $0x3  }
0x95: {  	_ =	strace s4  }
0x96: {  	s4 =	sld [smem:$0x3FFD];
	_ =	sdelay $0x3  }
0x97: {  	_ =	strace s4  }
0x98: {  	_ =	strace $0x8FFFFFFF  }
0x99: {  	s19 =	sld [smem:$0x3FDB];
	_ =	sdelay $0x1  }
0x9a: {  	s5 =	simm.s32 $_scs_section_size  }
0x9b: {  	s6 =	simm.s32 $_size__tile_overlayer_lowered;
	s7 =	simm.s32 $_tile_overlayer_lowered  }
0x9c: {  	s22 =	simm.s32 $0x1BFF;
	s21 =	sshll.u32 s7, $0x1;
	s4 =	sadd.s32 s5, s19  }
0x9d: {  	s8 =	simm.s32 $0x0;
	s20 =	sshll.u32 s6, $0x1;
	s6 =	sadd.s32 s21, s4  }
0x9e: {  	[timem:s8], [sflag:s22] =	dma.local [hbm:s6], s20  }
0x9f: {  	_ =	swait.ge [sflag:s22], s20  }
0xa0: {  	s5 =	ssub.s32 $0x0, s20;
	[sflag:s22] =	ssyncset.done $0x0  }
0xa1: {  	[sflag:s22] =	ssyncadd.s32 s5;
	_ =	sdelay $0x1  }
0xa2: {  	s23 =	simm.s32 $0x1B8B  }
0xa3: {  	_ =	swait.ge [sflag:s23], $0x1  }
0xa4: {  	[sflag:s23] =	ssyncset.done $0x0  }
0xa5: {  	s25 =	simm.s32 $0x1B8E;
	s24 =	sld [smem:$0x3FFE];
	[sflag:s23] =	ssyncadd.s32 $0xFFFFFFFF  }
0xa6: {  	s26 =	simm.s32 $execute0_lowered;
	[smem:$0x3FD2] =	sst s25  }
0xa7: {  	s6 =	sshll.u32 s26, $0x1;
	_ =	strace $0x80000046;
	[dreg:$0x1] =	wrdreg $0xFFFFFFFF  }
0xa8: {  	s28 =	simm.s32 $_size_execute0_lowered;
	s4 =	sadd.s32 s4, s6;
	[dreg:$0x0] =	wrdreg $0x0  }
0xa9: {  	s6 =	sshll.u32 s28, $0x1;
	[dreg:$0x2] =	wrdreg s4  }
0xaa: {  	[dreg:$0x3] =	wrdreg s6  }
0xab: {  	[dreg:$0x4] =	wrdreg $0xC0  }
0xac: {  	_ =	task [dreg:s8], $0x5FFFF  }
0xad: {  	[dreg:$0x1] =	wrdreg $0xFFFFFFFF  }
0xae: {  	[dreg:$0x0] =	wrdreg $0x60  }
0xaf: {  	[dreg:$0x2] =	wrdreg s24  }
0xb0: {  	[dreg:$0x3] =	wrdreg s2  }
0xb1: {  	[dreg:$0x4] =	wrdreg s18  }
0xb2: {  	[dreg:$0x5] =	wrdreg $0x90000  }
0xb3: {  	[dreg:$0x6] =	wrdreg $0x9  }
0xb4: {  	_ =	task.clear_ibuf [dreg:s8], $0x7FFFF;
	_ =	strace $0x90000046  }
0xb5: {  	s29 =	simm.s32 $0x9;
	_ =	strace $0x80000048  }
0xb6: {  	_ =	swait.ge [sflag:s29], $0x1  }
0xb7: {  	[sflag:s29] =	ssyncadd.s32 $0xFFFFFFFF  }
0xb8: {  	_ =	strace $0x90000048  }
0xb9: {  	_ =	sfence  }
0xba: {  	s30 =	sld [smem:$0x0];
	_ =	sdelay $0x2  }
0xbb: {  	s31 =	sshll.u32 s1, $0xD;
	s1 =	sshrl.u32 s1, $0x2  }
0xbc: {  	s3 =	sand.u32 $0x4000, s31;
	s1 =	sadd.s32 s1, s30  }
0xbd: {  	s0 =	sor.u32 s3, s0;
	s1 =	sshll.u32 s1, $0x11  }
0xbe: {  	s0 =	sor.u32 s1, s0  }
0xbf: {  	s0 =	sadd.s32 $0x8F2B, s0  }
0xc0: {  	[sflag:s0] =	ssyncadd.remote.s32 $0x1  }
0xc1: {  	_ =	sfence.sel $0xFFFF  }
0xc2: {  	[dreg:$0x0] =	wrdreg $0xFFFFFFFF;
	(pc) =	sbr.abs _section_cstart, $3  }
0xc3: {  	[dreg:$0x1] =	wrdreg $0xFFFFFFFF  }
0xc4: {  	_ =	task.clear_ibuf [dreg:s8], $0x2FFFF;
	_ =	strace $0x9FFFFFFF  }
0xc5: {  	(tm) =	ssettm $0x7FFFFFFF  }
tec
execute0_lowered:
.L_overlay_start_1:
0x0: {  	(tag) =	ssettag $0x1  }
0x1: {  	s0 =	rddreg [dreg:$0x0]  }
0x2: {  	s8 =	rddreg [dreg:$0x1]  }
0x3: {  	s5 =	rddreg [dreg:$0x2]  }
0x4: {  	s1 =	rddreg [dreg:$0x3]  }
0x5: {  	s2 =	srdreg.scid;
	s3 =	simm.s32 $0x0;
	s22 =	stileid.u32  }
0x6: {  	s14 =	simm.s32 $0x80;
	s15 =	simm.s32 $0x5000;
	s16 =	simm.s32 $0x6000  }
0x7: {  	s17 =	simm.s32 $0x100;
	s18 =	simm.s32 $0x7000;
	s19 =	simm.s32 $0x180  }
0x8: {  	s20 =	simm.s32 $0x8000;
	s21 =	simm.s32 $0x1;
	s28 =	simm.s32 $0x4F00  }
0x9: {  	s29 =	simm.s32 $0x4F80;
	s30 =	simm.s32 $0x0;
	s6 =	sand.u32 $0x1, s2  }
0xa: {  	[smem:$0x7FF] =	sst s3;
	s9 =	smul.u32 $0x2800, s22;
	s4 =	sadd.s32 $0xA400, s0  }
0xb: {  	s23 =	sshll.u32 s22, $0xF;
	s26 =	sshll.u32 s22, $0xC;
	s31 =	sshll.u32 s22, $0x6  }
0xc: {  	s22 =	simm.s32 $0x2;
	s7 =	smul.u32 $0x28000, s6;
	_ =	strace $0x80000047  }
0xd: {  	s10 =	sshll.u32 s6, $0x13;
	s6 =	ssub.s32 $0x2, s6;
	s13 =	sadd.s32 s23, s1  }
0xe: {  	s5 =	sadd.s32 s5, s26;
	s26 =	simm.s32 $0x4E80;
	s24 =	sor.u32 s23, s10  }
0xf: {  	s12 =	sshrl.u32 s6, $0x1;
	s23 =	simm.s32 $0x3;
	s7 =	sadd.s32 s9, s7  }
0x10: {  	s12 =	ssub.s32 s6, s12;
	s6 =	sor.u32 $0x1C05, s31;
	s11 =	sshrl.u32 s7, $0x3  }
0x11: {  	s7 =	sshrl.u32 s24, $0x3;
	s10 =	smax.u32 s12, $0x1;
	s12 =	simm.s32 $0x5  }
0x12: {  	s24 =	simm.s32 $0x4;
	s25 =	sadd.s32 s11, s0;
	s0 =	sadd.s32 s7, s0  }
0x13: {  	s8 =	sadd.s32 s8, s11;
	s11 =	sshrl.u32 s13, $0x3;
	s13 =	simm.s32 $0x2800  }
0x14: {  	s7 =	sadd.s32 $0x400, s25;
	s9 =	sadd.s32 $0x3E2400, s0;
	s25 =	simm.s32 $0x4E00  }
.LBB2_1:
0x15: {  	[spmem:s11], [sflag:s6] =	dma.local [hbm:s5], $0x1000  }
0x16: {  	_ =	swait.ge [sflag:s12], $0x1000  }
0x17: {  	[sflag:s12] =	ssyncset.done $0x0  }
0x18: {  	[sflag:s12] =	ssyncadd.s32 $0xFFFFF000  }
0x19: {  	[tilespmem:s3], [sflag:$0x5] =	stream.linear.gather [hbm4b:s7+s3], $0x2800, $0x38;
	[tilespmem:$0x11000] =	vst v63  }
0x1a: {  	_ =	swait.ge [sflag:s12], $0x2800  }
0x1b: {  	[sflag:s12] =	ssyncset.done $0x0  }
0x1c: {  	[sflag:s12] =	ssyncadd.s32 $0xFFFFD800  }
0x1d: {  	[tilespmem:s13], [sflag:$0x5] =	stream.linear.gather [hbm4b:s8+s3], $0x2800, $0x38;
	[tilespmem:$0x11000] =	vst v63  }
0x1e: {  	_ =	swait.ge [sflag:s12], $0x2800  }
0x1f: {  	[sflag:s12] =	ssyncset.done $0x0  }
0x20: {  	[sflag:s12] =	ssyncadd.s32 $0xFFFFD800  }
0x21: {  	[bflag:$0x0] =	sbarrier.arrive $0xFFFF  }
0x22: {  	[tilespmem:s15], [sflag:$0x1] =	stream.indirect.gather [hbm4b:s4+s14], $0x20, s3, s14, $0xb8;
	[tilespmem:$0x11000] =	vst v63  }
0x23: {  	_ = 	snop  }
0x24: {  	[tilespmem:s16], [sflag:$0x2] =	stream.indirect.gather [hbm4b:s4+s14], $0x20, s14, s14, $0xb8;
	[tilespmem:$0x11000] =	vst v63  }
0x25: {  	_ = 	snop  }
0x26: {  	[tilespmem:s18], [sflag:$0x3] =	stream.indirect.gather [hbm4b:s4+s14], $0x20, s17, s14, $0xb8;
	[tilespmem:$0x11000] =	vst v63  }
0x27: {  	_ = 	snop  }
0x28: {  	[tilespmem:s20], [sflag:$0x4] =	stream.indirect.gather [hbm4b:s4+s14], $0x20, s19, s14, $0xb8;
	[tilespmem:$0x11000] =	vst v63  }
0x29: {  	_ =	swait.ge [sflag:s21], $0x1000  }
0x2a: {  	[sflag:s21] =	ssyncset.done $0x0  }
0x2b: {  	s0 =	simm.s32 $0x2800;
	[sflag:s21] =	ssyncadd.s32 $0xFFFFF000  }
0x2c: {  	[spmem:s1] =	stream.indirect.scatter.add.f32 [tilespmem:s15], [sflag:$0x5], $0x20, s0, s14, $0xb8;
	[tilespmem:$0x11000] =	vst v63  }
0x2d: {  	_ =	swait.ge [sflag:s12], $0x1000  }
0x2e: {  	[sflag:s12] =	ssyncset.done $0x0  }
0x2f: {  	s2 =	simm.s32 $0x200;
	[sflag:s12] =	ssyncadd.s32 $0xFFFFF000  }
0x30: {  	[tilespmem:s15], [sflag:$0x1] =	stream.indirect.gather [hbm4b:s4+s14], $0x20, s2, s14, $0xb8;
	[tilespmem:$0x11000] =	vst v63  }
0x31: {  	_ =	swait.ge [sflag:s22], $0x1000  }
0x32: {  	[sflag:s22] =	ssyncset.done $0x0  }
0x33: {  	s2 =	simm.s32 $0x2880;
	[sflag:s22] =	ssyncadd.s32 $0xFFFFF000  }
0x34: {  	[spmem:s1] =	stream.indirect.scatter.add.f32 [tilespmem:s16], [sflag:$0x5], $0x20, s2, s14, $0xb8;
	[tilespmem:$0x11000] =	vst v63  }
0x35: {  	_ =	swait.ge [sflag:s12], $0x1000  }
0x36: {  	[sflag:s12] =	ssyncset.done $0x0  }
0x37: {  	s2 =	simm.s32 $0x280;
	[sflag:s12] =	ssyncadd.s32 $0xFFFFF000  }
0x38: {  	[tilespmem:s16], [sflag:$0x2] =	stream.indirect.gather [hbm4b:s4+s14], $0x20, s2, s14, $0xb8;
	[tilespmem:$0x11000] =	vst v63  }
0x39: {  	_ =	swait.ge [sflag:s23], $0x1000  }
0x3a: {  	[sflag:s23] =	ssyncset.done $0x0  }
0x3b: {  	s2 =	simm.s32 $0x2900;
	[sflag:s23] =	ssyncadd.s32 $0xFFFFF000  }
0x3c: {  	[spmem:s1] =	stream.indirect.scatter.add.f32 [tilespmem:s18], [sflag:$0x5], $0x20, s2, s14, $0xb8;
	[tilespmem:$0x11000] =	vst v63  }
0x3d: {  	_ =	swait.ge [sflag:s12], $0x1000  }
0x3e: {  	[sflag:s12] =	ssyncset.done $0x0  }
0x3f: {  	s2 =	simm.s32 $0x300;
	[sflag:s12] =	ssyncadd.s32 $0xFFFFF000  }
0x40: {  	[tilespmem:s18], [sflag:$0x3] =	stream.indirect.gather [hbm4b:s4+s14], $0x20, s2, s14, $0xb8;
	[tilespmem:$0x11000] =	vst v63  }
0x41: {  	_ =	swait.ge [sflag:s24], $0x1000  }
0x42: {  	[sflag:s24] =	ssyncset.done $0x0  }
0x43: {  	s2 =	simm.s32 $0x2980;
	[sflag:s24] =	ssyncadd.s32 $0xFFFFF000  }
0x44: {  	[spmem:s1] =	stream.indirect.scatter.add.f32 [tilespmem:s20], [sflag:$0x5], $0x20, s2, s14, $0xb8;
	[tilespmem:$0x11000] =	vst v63  }
0x45: {  	_ =	swait.ge [sflag:s12], $0x1000  }
0x46: {  	[sflag:s12] =	ssyncset.done $0x0  }
0x47: {  	s31 =	simm.s32 $0x800;
	s0 =	simm.s32 $0x380;
	[sflag:s12] =	ssyncadd.s32 $0xFFFFF000  }
.LBB2_2:
0x48: {  	[tilespmem:s20], [sflag:$0x4] =	stream.indirect.gather [hbm4b:s4+s14], $0x20, s0, s14, $0xb8;
	[tilespmem:$0x11000] =	vst v63  }
0x49: {  	s0 =	smov.u32 s31  }
0x4a: {  	p0 =	sne.s32 s31, $0x9000;
	s31 =	sadd.s32 $0x800, s31;
	_ =	swait.ge [sflag:s21], $0x1000  }
0x4b: {  	s0 =	sshra.s32 s0, $0x2;
	[sflag:s21] =	ssyncset.done $0x0  }
0x4c: {  	s2 =	sadd.s32 $0x2800, s0;
	[sflag:s21] =	ssyncadd.s32 $0xFFFFF000  }
0x4d: {  	[spmem:s1] =	stream.indirect.scatter.add.f32 [tilespmem:s15], [sflag:$0x5], $0x20, s2, s14, $0xb8;
	[tilespmem:$0x11000] =	vst v63  }
0x4e: {  	_ =	swait.ge [sflag:s12], $0x1000  }
0x4f: {  	[sflag:s12] =	ssyncset.done $0x0  }
0x50: {  	s2 =	sadd.s32 $0x200, s0;
	[sflag:s12] =	ssyncadd.s32 $0xFFFFF000  }
0x51: {  	[tilespmem:s15], [sflag:$0x1] =	stream.indirect.gather [hbm4b:s4+s14], $0x20, s2, s14, $0xb8;
	[tilespmem:$0x11000] =	vst v63  }
0x52: {  	_ =	swait.ge [sflag:s22], $0x1000  }
0x53: {  	[sflag:s22] =	ssyncset.done $0x0  }
0x54: {  	s2 =	sadd.s32 $0x2880, s0;
	[sflag:s22] =	ssyncadd.s32 $0xFFFFF000  }
0x55: {  	[spmem:s1] =	stream.indirect.scatter.add.f32 [tilespmem:s16], [sflag:$0x5], $0x20, s2, s14, $0xb8;
	[tilespmem:$0x11000] =	vst v63  }
0x56: {  	_ =	swait.ge [sflag:s12], $0x1000  }
0x57: {  	[sflag:s12] =	ssyncset.done $0x0  }
0x58: {  	s2 =	sadd.s32 $0x280, s0;
	[sflag:s12] =	ssyncadd.s32 $0xFFFFF000  }
0x59: {  	[tilespmem:s16], [sflag:$0x2] =	stream.indirect.gather [hbm4b:s4+s14], $0x20, s2, s14, $0xb8;
	[tilespmem:$0x11000] =	vst v63  }
0x5a: {  	_ =	swait.ge [sflag:s23], $0x1000  }
0x5b: {  	[sflag:s23] =	ssyncset.done $0x0  }
0x5c: {  	s2 =	sadd.s32 $0x2900, s0;
	[sflag:s23] =	ssyncadd.s32 $0xFFFFF000  }
0x5d: {  	[spmem:s1] =	stream.indirect.scatter.add.f32 [tilespmem:s18], [sflag:$0x5], $0x20, s2, s14, $0xb8;
	[tilespmem:$0x11000] =	vst v63  }
0x5e: {  	_ =	swait.ge [sflag:s12], $0x1000  }
0x5f: {  	[sflag:s12] =	ssyncset.done $0x0  }
0x60: {  	s2 =	sadd.s32 $0x300, s0;
	[sflag:s12] =	ssyncadd.s32 $0xFFFFF000  }
0x61: {  	[tilespmem:s18], [sflag:$0x3] =	stream.indirect.gather [hbm4b:s4+s14], $0x20, s2, s14, $0xb8;
	[tilespmem:$0x11000] =	vst v63  }
0x62: {  	_ =	swait.ge [sflag:s24], $0x1000  }
0x63: {  	[sflag:s24] =	ssyncset.done $0x0  }
.Ltmp0:
0x64: {  	s2 =	sadd.s32 $0x2980, s0;
	[sflag:s24] =	ssyncadd.s32 $0xFFFFF000;
	(pc) =	sbr.rel @p0 .LBB2_2-.Ltmp0, $4  }
0x65: {  	[spmem:s1] =	stream.indirect.scatter.add.f32 [tilespmem:s20], [sflag:$0x5], $0x20, s2, s14, $0xb8;
	[tilespmem:$0x11000] =	vst v63  }
0x66: {  	_ =	swait.ge [sflag:s12], $0x1000  }
0x67: {  	[sflag:s12] =	ssyncset.done $0x0  }
0x68: {  	s0 =	sadd.s32 $0x380, s0;
	[sflag:s12] =	ssyncadd.s32 $0xFFFFF000  }
0x69: {  	[tilespmem:s20], [sflag:$0x4] =	stream.indirect.gather [hbm4b:s4+s14], $0x20, s0, s14, $0xb8;
	[tilespmem:$0x11000] =	vst v63  }
0x6a: {  	_ =	swait.ge [sflag:s21], $0x1000  }
0x6b: {  	[sflag:s21] =	ssyncset.done $0x0  }
0x6c: {  	[sflag:s21] =	ssyncadd.s32 $0xFFFFF000  }
0x6d: {  	[spmem:s1] =	stream.indirect.scatter.add.f32 [tilespmem:s15], [sflag:$0x5], $0x20, s25, s14, $0xb8;
	[tilespmem:$0x11000] =	vst v63  }
0x6e: {  	_ =	swait.ge [sflag:s12], $0x1000  }
0x6f: {  	[sflag:s12] =	ssyncset.done $0x0  }
0x70: {  	[sflag:s12] =	ssyncadd.s32 $0xFFFFF000  }
0x71: {  	_ =	swait.ge [sflag:s22], $0x1000  }
0x72: {  	[sflag:s22] =	ssyncset.done $0x0  }
0x73: {  	[sflag:s22] =	ssyncadd.s32 $0xFFFFF000  }
0x74: {  	[spmem:s1] =	stream.indirect.scatter.add.f32 [tilespmem:s16], [sflag:$0x5], $0x20, s26, s14, $0xb8;
	[tilespmem:$0x11000] =	vst v63  }
0x75: {  	_ =	swait.ge [sflag:s12], $0x1000  }
0x76: {  	[sflag:s12] =	ssyncset.done $0x0  }
0x77: {  	[sflag:s12] =	ssyncadd.s32 $0xFFFFF000  }
0x78: {  	_ =	swait.ge [sflag:s23], $0x1000  }
0x79: {  	[sflag:s23] =	ssyncset.done $0x0  }
0x7a: {  	[sflag:s23] =	ssyncadd.s32 $0xFFFFF000  }
0x7b: {  	[spmem:s1] =	stream.indirect.scatter.add.f32 [tilespmem:s18], [sflag:$0x5], $0x20, s28, s14, $0xb8;
	[tilespmem:$0x11000] =	vst v63  }
0x7c: {  	_ =	swait.ge [sflag:s12], $0x1000  }
0x7d: {  	[sflag:s12] =	ssyncset.done $0x0  }
0x7e: {  	[sflag:s12] =	ssyncadd.s32 $0xFFFFF000  }
0x7f: {  	_ =	swait.ge [sflag:s24], $0x1000  }
0x80: {  	[sflag:s24] =	ssyncset.done $0x0  }
0x81: {  	[sflag:s24] =	ssyncadd.s32 $0xFFFFF000  }
0x82: {  	[spmem:s1] =	stream.indirect.scatter.add.f32 [tilespmem:s20], [sflag:$0x5], $0x20, s29, s14, $0xb8;
	[tilespmem:$0x11000] =	vst v63  }
0x83: {  	_ =	swait.ge [sflag:s12], $0x1000  }
0x84: {  	s30 =	sadd.s32 $0x1, s30;
	[sflag:s12] =	ssyncset.done $0x0  }
0x85: {  	p0 =	sne.s32 s30, s10;
	[sflag:s12] =	ssyncadd.s32 $0xFFFFF000  }
.Ltmp1:
0x86: {  	[bflag:$0x0] =	sbarrier.arrive $0xFFFF;
	(pc) =	sbr.rel @p0 .LBB2_1-.Ltmp1, $4  }
0x87: {  	[hbm:s9], [sflag:s6] =	dma.local [spmem:s11], $0x1000  }
0x88: {  	_ =	swait.ge [sflag:s12], $0x1000  }
0x89: {  	[sflag:s12] =	ssyncset.done $0x0  }
0x8a: {  	[sflag:s12] =	ssyncadd.s32 $0xFFFFF000  }
0x8b: {  	_ =	sfence.sel $0x180000  }
0x8c: {  	[bflag:$0x0] =	sbarrier.arrive $0xFFFF  }
0x8d: {  	_ =	strace $0x90000047  }
0x8e: {  	s0 =	stileid.u32;
	[bflag:$0x2] =	sbarrier.arrive $0xFFFF  }
0x8f: {  	p0 =	sne.s32 s0, $0x0;
	s0 =	rddreg [dreg:$0x4]  }
0x90: {  	s0 =	sadd.s32 @!p0 $0x100000, s0  }
0x91: {  	[sflag:s0] =	ssyncadd.tile.s32 @!p0 $0x1;
	_ =	shalt  }
.Lfunc_end2:
_tile_overlayer_lowered:
.L_overlay_start_2:
0x92: {  	(tag) =	ssettag $0x2  }
0x93: {  	s0 =	rddreg [dreg:$0x0];
	s2 =	stileid.u32  }
0x94: {  	s1 =	rddreg [dreg:$0x1];
	p0 =	sne.s32 s2, $0x0  }
0x95: {  	s3 =	rddreg [dreg:$0x2];
	[bflag:$0x3] =	sbarrier.arrive $0xFFFF;
	s2 =	simm.s32 @!p0 $0x1C05  }
0x96: {  	[timem:s3], [sflag:s2] =	dma.local @!p0 [hbm:s0], s1  }
0x97: {  	s0 =	simm.s32 @!p0 $0x5  }
0x98: {  	_ =	swait.ge @!p0 [sflag:s0], s1  }
0x99: {  	s1 =	ssub.s32 @!p0 $0x0, s1;
	[sflag:s0] =	ssyncset.done @!p0 $0x0  }
0x9a: {  	[sflag:s0] =	ssyncadd.s32 @!p0 s1  }
0x9b: {  	[bflag:$0x3] =	sbarrier.arrive $0xFFFF  }
0x9c: {  	_ =	shalt  }

</sc_bundles>
